<compile_context>
chip_gen: v7x
topology: tpu7x:2x2x1
jax: 0.10.2.dev20260603
libtpu: 0.0.44.dev20260713+nightly
codegen_flags: <defaults>
</compile_context>

<pallas_src>
import functools

import jax
import jax.numpy as jnp
import numpy as np
from jax.experimental import pallas as pl
from jax.experimental.pallas import tpu as pltpu

_F = 54


def _bmm(mat, xb):
    f = xb.shape[0]
    mat = mat.astype(jnp.bfloat16)
    xb = xb.astype(jnp.bfloat16)
    mb = jnp.broadcast_to(mat[None], (f,) + mat.shape)
    return jax.lax.dot_general(
        mb, xb, (((2,), (1,)), ((0,), (0,))),
        preferred_element_type=jnp.float32)


def _mm(lhs, rhs):
    return jnp.dot(lhs.astype(jnp.bfloat16), rhs.astype(jnp.bfloat16),
                   preferred_element_type=jnp.float32)


def _gat_body(x_ref, wqk_ref, s_ref, d_ref, dt_ref, aexp_ref,
              w1_ref, w2_ref, cb_ref, out_ref):
    F, J, C = x_ref.shape
    JP = 24
    EB = s_ref.shape[0]
    xb = x_ref[...]
    x24 = jnp.concatenate(
        [xb, jnp.zeros((F, JP - J, C), jnp.float32)], axis=1)
    x2d = x24.reshape(F * JP, C)

    qk = _mm(x2d, wqk_ref[...])
    qk3 = qk.reshape(F, JP, 4 * C)
    q = qk3[:, :, :2 * C]
    k = qk3[:, :, 2 * C:]

    zs = q + k
    zs = jnp.where(zs >= 0, zs, 0.2 * zs)
    ls = _mm(zs.reshape(F * JP, 2 * C), aexp_ref[...])
    ez_s = jnp.exp(ls).reshape(F, JP, C)

    qx = jnp.concatenate([q, x24], axis=2)
    qxe = _bmm(s_ref[...], qx)
    ke = _bmm(d_ref[...], k)
    z = qxe[:, :, :2 * C] + ke
    z = jnp.where(z >= 0, z, 0.2 * z)
    lg = _mm(z.reshape(F * EB, 2 * C), aexp_ref[...])
    ez = jnp.exp(lg).reshape(F, EB, C)
    wx = ez * qxe[:, :, 2 * C:]
    sy = _bmm(dt_ref[...], jnp.concatenate([ez, wx], axis=2))
    sigma = sy[:, :, :C] + ez_s
    ytot = sy[:, :, C:] + ez_s * x24
    y = (0.45 / (sigma + 1e-9)) * ytot

    y2d = y.reshape(F * JP, C)
    o = (y2d
         + _mm(y2d, w1_ref[...])
         + 0.05 * x2d
         + _mm(x2d, w2_ref[...])
         + cb_ref[...])
    o = 0.5 * o * (1.0 + jax.lax.erf(o * np.float32(1.0 / np.sqrt(2.0))))
    out_ref[...] = o.reshape(F, JP, C)[:, :J, :]


@functools.partial(jax.jit, static_argnames=())
def kernel(x, W_qk, a, W1, b1, W2, b2, edge_index):
    B, T, J, C = x.shape
    H, A = a.shape
    dim_h = C // H
    N = B * T
    F = _F
    G = N // F
    E = edge_index.shape[1]
    EB = E - J
    JP = 24

    start = edge_index[0, :EB]
    end = edge_index[1, :EB]

    hh = jnp.arange(H)
    cc = jnp.arange(A)
    perm_q = (hh[:, None] * 2 * A + cc[None, :]).reshape(-1)
    perm_k = (hh[:, None] * 2 * A + A + cc[None, :]).reshape(-1)
    perm = jnp.concatenate([perm_q, perm_k])
    wqk_t = W_qk[perm, :].T

    ee = jnp.arange(EB)
    S = jnp.zeros((EB, JP), jnp.float32).at[ee, start].set(1.0)
    D = jnp.zeros((EB, JP), jnp.float32).at[ee, end].set(1.0)
    DT = D.T

    a_blk = (jnp.zeros((H, A, H), jnp.float32)
             .at[hh, :, hh].set(a).reshape(H * A, H))
    rep = jnp.kron(jnp.eye(H, dtype=jnp.float32),
                   jnp.ones((1, dim_h), jnp.float32))
    a_exp = a_blk @ rep
    w1_t = W1.T
    w2_s = 0.05 * W2.T
    cb = (0.45 * b1 + 0.05 * b2).reshape(1, C)

    x2 = x.reshape(N, J, C)

    def wspec(shape):
        return pl.BlockSpec(shape, lambda i: (0,) * len(shape))

    out = pl.pallas_call(
        _gat_body,
        grid=(G,),
        in_specs=[
            pl.BlockSpec((F, J, C), lambda i: (i, 0, 0)),
            wspec((C, 4 * C)),
            wspec((EB, JP)),
            wspec((EB, JP)),
            wspec((JP, EB)),
            wspec((2 * C, C)),
            wspec((C, C)),
            wspec((C, C)),
            wspec((1, C)),
        ],
        out_specs=pl.BlockSpec((F, J, C), lambda i: (i, 0, 0)),
        out_shape=jax.ShapeDtypeStruct((N, J, C), jnp.float32),
        compiler_params=pltpu.CompilerParams(
            dimension_semantics=("arbitrary",)),
    )(x2, wqk_t, S, D, DT, a_exp, w1_t, w2_s, cb)
    return out.reshape(B, T, J, C)

# --- scband reference (transcript-rebuilt; emitter-appended) ---
"""Pipeline reference for scband-skipable-gat-90503550861674 (READ-ONLY COPY).

The authoritative reference and input builder live on the scoring server;
editing this copy changes nothing except your own understanding.
"""

import jax, jax.numpy as jnp
import numpy as np

J_SKEL = 17
J_TOTAL = 24
N_ADD = J_TOTAL - J_SKEL
H = 8
A_SCALE = 2
ALPHA = 0.1
BETA = 0.5  # lamb=0.5 / (1 + index_of_layer=0)


def _build_edge_index():
    bones = [(0, 1), (1, 2), (2, 3), (0, 4), (4, 5), (5, 6), (0, 7), (7, 8),
             (8, 9), (9, 10), (8, 11), (11, 12), (12, 13), (8, 14), (14, 15), (15, 16)]
    src = [a for a, b in bones] + [b for a, b in bones] + list(range(J_SKEL))
    dst = [b for a, b in bones] + [a for a, b in bones] + list(range(J_SKEL))
    return jnp.array([src, dst], dtype=jnp.int32)


def setup_inputs(seed: int = 0) -> dict:
    key = jax.random.key(seed)
    ks = jax.random.split(key, 8)
    B, T, C = 32, 243, 128
    dim_h = C // H
    A = A_SCALE * dim_h
    x = jax.random.normal(ks[0], (B, T, J_SKEL, C), dtype=jnp.float32)
    # w_qk: Linear(dim, 2*a_scale*dim, bias=False) -> weight [512, 128]
    W_qk = jax.random.normal(ks[1], (2 * A_SCALE * C, C), dtype=jnp.float32) * (1.0 / np.sqrt(C))
    # a: [h, dim_h*a_scale], xavier_normal with leaky_relu gain
    gain = float(np.sqrt(2.0 / (1.0 + 0.2 ** 2)))
    a = jax.random.normal(ks[2], (H, A), dtype=jnp.float32) * (gain * np.sqrt(2.0 / (H + A)))
    xstd = float(np.sqrt(2.0 / (C + C)))
    W1 = jax.random.normal(ks[3], (C, C), dtype=jnp.float32) * xstd
    b1 = jnp.zeros((C,), dtype=jnp.float32)
    W2 = jax.random.normal(ks[4], (C, C), dtype=jnp.float32) * xstd
    b2 = jnp.zeros((C,), dtype=jnp.float32)
    edge_index = _build_edge_index()
    return {"x": x, "W_qk": W_qk, "a": a, "W1": W1, "b1": b1, "W2": W2, "b2": b2, "edge_index": edge_index}


def _gat(x, W_qk, a, edge_index):
    B, T, J, C = x.shape
    dim_h = C // H
    A = A_SCALE * dim_h
    start, end = edge_index[0], edge_index[1]
    qk = x @ W_qk.T                                   # [B,T,J,2*a_scale*C]
    qk = qk.reshape(B, T, J, H, 2 * A)
    q = qk[..., :A]
    k = qk[..., A:]
    z = q[:, :, start, :, :] + k[:, :, end, :, :]      # [B,T,E,H,A]
    z = jnp.where(z >= 0, z, 0.2 * z)                  # leaky_relu(0.2)
    z = jnp.einsum('bteha,ha->bteh', z, a)             # [B,T,E,H]
    z = jnp.exp(z - jnp.max(z, axis=2, keepdims=True))
    sigma = jnp.zeros((B, T, J, H), x.dtype).at[:, :, end, :].add(z)
    attn = z / (sigma[:, :, end, :] + 1e-09)
    attn = jnp.swapaxes(attn, 2, 3)                    # [B,T,H,E]
    dense_attn = jnp.zeros((B, T, H, J, J), x.dtype).at[:, :, :, end, start].set(attn)
    xv = x.reshape(B, T, J, H, dim_h)
    xv = jnp.swapaxes(xv, 2, 3)                        # [B,T,H,J,dim_h]
    y = dense_attn @ xv                                # [B,T,H,J,dim_h]
    y = jnp.swapaxes(y, 2, 3).reshape(B, T, J, C)
    return y


def reference(x, W_qk, a, W1, b1, W2, b2, edge_index):
    B, T, Jin, C = x.shape
    x = jnp.concatenate([x, jnp.zeros((B, T, N_ADD, C), x.dtype)], axis=2)
    x0 = x
    y = _gat(x, W_qk, a, edge_index)
    v1 = (1.0 - BETA) * y + BETA * (y @ W1.T + b1)
    v2 = (1.0 - BETA) * x0 + BETA * (x0 @ W2.T + b2)
    out = (1.0 - ALPHA) * v1 + ALPHA * v2
    out = jax.nn.gelu(out, approximate=False)
    return out[:, :, :Jin, :]

if __name__ == "__main__":
    import jax
    _d = setup_inputs()
    print(jax.jit(kernel)(*tuple(_d.values())))

</pallas_src>

<mosaic_0001>
module attributes {stable_mosaic.version = 14 : i64} {
  func.func @_gat_body(%arg0: i32, %arg1: memref<54x17x128xf32, #tpu.memory_space<vmem>>, %arg2: memref<128x512xf32, #tpu.memory_space<vmem>>, %arg3: memref<32x24xf32, #tpu.memory_space<vmem>>, %arg4: memref<32x24xf32, #tpu.memory_space<vmem>>, %arg5: memref<24x32xf32, #tpu.memory_space<vmem>>, %arg6: memref<256x128xf32, #tpu.memory_space<vmem>>, %arg7: memref<128x128xf32, #tpu.memory_space<vmem>>, %arg8: memref<128x128xf32, #tpu.memory_space<vmem>>, %arg9: memref<1x128xf32, #tpu.memory_space<vmem>>, %arg10: memref<54x17x128xf32, #tpu.memory_space<vmem>>) attributes {dimension_semantics = [#tpu.dimension_semantics<arbitrary>], iteration_bounds = array<i64: 144>, scalar_prefetch = 0 : i64, scratch_operands = 0 : i64, tpu.core_type = #tpu.core_type<tc>, window_params = [{transform_indices = @transform_0, window_bounds = array<i64: 54, 17, 128>}, {pipeline_mode = #tpu.pipeline_mode<synchronous>, transform_indices = @transform_1, window_bounds = array<i64: 128, 512>}, {pipeline_mode = #tpu.pipeline_mode<synchronous>, transform_indices = @transform_2, window_bounds = array<i64: 32, 24>}, {pipeline_mode = #tpu.pipeline_mode<synchronous>, transform_indices = @transform_3, window_bounds = array<i64: 32, 24>}, {pipeline_mode = #tpu.pipeline_mode<synchronous>, transform_indices = @transform_4, window_bounds = array<i64: 24, 32>}, {pipeline_mode = #tpu.pipeline_mode<synchronous>, transform_indices = @transform_5, window_bounds = array<i64: 256, 128>}, {pipeline_mode = #tpu.pipeline_mode<synchronous>, transform_indices = @transform_6, window_bounds = array<i64: 128, 128>}, {pipeline_mode = #tpu.pipeline_mode<synchronous>, transform_indices = @transform_7, window_bounds = array<i64: 128, 128>}, {pipeline_mode = #tpu.pipeline_mode<synchronous>, transform_indices = @transform_8, window_bounds = array<i64: 1, 128>}, {transform_indices = @transform_9, window_bounds = array<i64: 54, 17, 128>}]} {
    %get3A = arith.constant 0 : index
    %get3A_0 = arith.constant 0 : index
    %get3A_1 = arith.constant 0 : index
    %get3A_2 = vector.load %arg1[%get3A, %get3A_0, %get3A_1] : memref<54x17x128xf32, #tpu.memory_space<vmem>>, vector<54x17x128xf32>
    %broadcast_in_dim3A = arith.constant 0.000000e+00 : f32
    %broadcast_in_dim3A_3 = vector.broadcast %broadcast_in_dim3A : f32 to vector<54x7x128xf32>
    %concatenate3A = tpu.concatenate %get3A_2, %broadcast_in_dim3A_3 in 1 : vector<54x17x128xf32>, vector<54x7x128xf32> -> vector<54x24x128xf32>
    %reshape3A = vector.shape_cast %concatenate3A : vector<54x24x128xf32> to vector<1296x128xf32>
    %get3A_4 = arith.constant 0 : index
    %get3A_5 = arith.constant 0 : index
    %get3A_6 = vector.load %arg2[%get3A_4, %get3A_5] : memref<128x512xf32, #tpu.memory_space<vmem>>, vector<128x512xf32>
    %convert_element_type3A = arith.truncf %reshape3A : vector<1296x128xf32> to vector<1296x128xbf16>
    %convert_element_type3A_7 = arith.truncf %get3A_6 : vector<128x512xf32> to vector<128x512xbf16>
    %dot_general3A = arith.constant dense<0.000000e+00> : vector<1296x512xf32>
    %dot_general3A_8 = tpu.matmul %convert_element_type3A, %convert_element_type3A_7, %dot_general3A {dimension_numbers = #tpu.dot_dimension_numbers<[1], [0], [0], [1], [0, 0, 1, 1], [], []>, transpose_lhs_hint = false} : vector<1296x128xbf16>, vector<128x512xbf16>, vector<1296x512xf32> -> vector<1296x512xf32>
    %reshape3A_9 = vector.shape_cast %dot_general3A_8 : vector<1296x512xf32> to vector<54x24x512xf32>
    %slice3A = vector.extract_strided_slice %reshape3A_9 {offsets = [0, 0, 0], sizes = [54, 24, 256], strides = [1, 1, 1]} : vector<54x24x512xf32> to vector<54x24x256xf32>
    %slice3A_10 = vector.extract_strided_slice %reshape3A_9 {offsets = [0, 0, 256], sizes = [54, 24, 256], strides = [1, 1, 1]} : vector<54x24x512xf32> to vector<54x24x256xf32>
    %add3A = arith.addf %slice3A, %slice3A_10 : vector<54x24x256xf32>
    %ge3A = arith.constant 0.000000e+00 : f32
    %ge3A_11 = vector.broadcast %ge3A : f32 to vector<54x24x256xf32>
    %ge3A_12 = arith.cmpf oge, %add3A, %ge3A_11 : vector<54x24x256xf32>
    %mul3A = arith.constant 2.000000e-01 : f32
    %mul3A_13 = vector.broadcast %mul3A : f32 to vector<54x24x256xf32>
    %mul3A_14 = arith.mulf %mul3A_13, %add3A : vector<54x24x256xf32>
    %select_n3A = arith.select %ge3A_12, %add3A, %mul3A_14 : vector<54x24x256xi1>, vector<54x24x256xf32>
    %reshape3A_15 = vector.shape_cast %select_n3A : vector<54x24x256xf32> to vector<1296x256xf32>
    %get3A_16 = arith.constant 0 : index
    %get3A_17 = arith.constant 0 : index
    %get3A_18 = vector.load %arg6[%get3A_16, %get3A_17] : memref<256x128xf32, #tpu.memory_space<vmem>>, vector<256x128xf32>
    %convert_element_type3A_19 = arith.truncf %reshape3A_15 : vector<1296x256xf32> to vector<1296x256xbf16>
    %convert_element_type3A_20 = arith.truncf %get3A_18 : vector<256x128xf32> to vector<256x128xbf16>
    %dot_general3A_21 = arith.constant dense<0.000000e+00> : vector<1296x128xf32>
    %dot_general3A_22 = tpu.matmul %convert_element_type3A_19, %convert_element_type3A_20, %dot_general3A_21 {dimension_numbers = #tpu.dot_dimension_numbers<[1], [0], [0], [1], [0, 0, 1, 1], [], []>, transpose_lhs_hint = false} : vector<1296x256xbf16>, vector<256x128xbf16>, vector<1296x128xf32> -> vector<1296x128xf32>
    %exp3A = math.exp %dot_general3A_22 : vector<1296x128xf32>
    %reshape3A_23 = vector.shape_cast %exp3A : vector<1296x128xf32> to vector<54x24x128xf32>
    %concatenate3A_24 = tpu.concatenate %slice3A, %concatenate3A in 2 : vector<54x24x256xf32>, vector<54x24x128xf32> -> vector<54x24x384xf32>
    %get3A_25 = arith.constant 0 : index
    %get3A_26 = arith.constant 0 : index
    %get3A_27 = vector.load %arg3[%get3A_25, %get3A_26] : memref<32x24xf32, #tpu.memory_space<vmem>>, vector<32x24xf32>
    %convert_element_type3A_28 = arith.truncf %get3A_27 : vector<32x24xf32> to vector<32x24xbf16>
    %convert_element_type3A_29 = arith.truncf %concatenate3A_24 : vector<54x24x384xf32> to vector<54x24x384xbf16>
    %broadcast_in_dim3A_30 = vector.shape_cast %convert_element_type3A_28 : vector<32x24xbf16> to vector<1x32x24xbf16>
    %broadcast_in_dim3A_31 = vector.shape_cast %broadcast_in_dim3A_30 : vector<1x32x24xbf16> to vector<1x32x24xbf16>
    %broadcast_in_dim3A_32 = vector.broadcast %broadcast_in_dim3A_31 : vector<1x32x24xbf16> to vector<54x32x24xbf16>
    %dot_general3A_33 = arith.constant dense<0.000000e+00> : vector<54x32x384xf32>
    %dot_general3A_34 = tpu.matmul %broadcast_in_dim3A_32, %convert_element_type3A_29, %dot_general3A_33 {dimension_numbers = #tpu.dot_dimension_numbers<[2], [1], [1], [2], [0, 0, 0, 1, 1, 2], [0], [0]>, transpose_lhs_hint = false} : vector<54x32x24xbf16>, vector<54x24x384xbf16>, vector<54x32x384xf32> -> vector<54x32x384xf32>
    %get3A_35 = arith.constant 0 : index
    %get3A_36 = arith.constant 0 : index
    %get3A_37 = vector.load %arg4[%get3A_35, %get3A_36] : memref<32x24xf32, #tpu.memory_space<vmem>>, vector<32x24xf32>
    %convert_element_type3A_38 = arith.truncf %get3A_37 : vector<32x24xf32> to vector<32x24xbf16>
    %convert_element_type3A_39 = arith.truncf %slice3A_10 : vector<54x24x256xf32> to vector<54x24x256xbf16>
    %broadcast_in_dim3A_40 = vector.shape_cast %convert_element_type3A_38 : vector<32x24xbf16> to vector<1x32x24xbf16>
    %broadcast_in_dim3A_41 = vector.shape_cast %broadcast_in_dim3A_40 : vector<1x32x24xbf16> to vector<1x32x24xbf16>
    %broadcast_in_dim3A_42 = vector.broadcast %broadcast_in_dim3A_41 : vector<1x32x24xbf16> to vector<54x32x24xbf16>
    %dot_general3A_43 = arith.constant dense<0.000000e+00> : vector<54x32x256xf32>
    %dot_general3A_44 = tpu.matmul %broadcast_in_dim3A_42, %convert_element_type3A_39, %dot_general3A_43 {dimension_numbers = #tpu.dot_dimension_numbers<[2], [1], [1], [2], [0, 0, 0, 1, 1, 2], [0], [0]>, transpose_lhs_hint = false} : vector<54x32x24xbf16>, vector<54x24x256xbf16>, vector<54x32x256xf32> -> vector<54x32x256xf32>
    %slice3A_45 = vector.extract_strided_slice %dot_general3A_34 {offsets = [0, 0, 0], sizes = [54, 32, 256], strides = [1, 1, 1]} : vector<54x32x384xf32> to vector<54x32x256xf32>
    %add3A_46 = arith.addf %slice3A_45, %dot_general3A_44 : vector<54x32x256xf32>
    %ge3A_47 = arith.constant 0.000000e+00 : f32
    %ge3A_48 = vector.broadcast %ge3A_47 : f32 to vector<54x32x256xf32>
    %ge3A_49 = arith.cmpf oge, %add3A_46, %ge3A_48 : vector<54x32x256xf32>
    %mul3A_50 = arith.constant 2.000000e-01 : f32
    %mul3A_51 = vector.broadcast %mul3A_50 : f32 to vector<54x32x256xf32>
    %mul3A_52 = arith.mulf %mul3A_51, %add3A_46 : vector<54x32x256xf32>
    %select_n3A_53 = arith.select %ge3A_49, %add3A_46, %mul3A_52 : vector<54x32x256xi1>, vector<54x32x256xf32>
    %reshape3A_54 = vector.shape_cast %select_n3A_53 : vector<54x32x256xf32> to vector<1728x256xf32>
    %get3A_55 = arith.constant 0 : index
    %get3A_56 = arith.constant 0 : index
    %get3A_57 = vector.load %arg6[%get3A_55, %get3A_56] : memref<256x128xf32, #tpu.memory_space<vmem>>, vector<256x128xf32>
    %convert_element_type3A_58 = arith.truncf %reshape3A_54 : vector<1728x256xf32> to vector<1728x256xbf16>
    %convert_element_type3A_59 = arith.truncf %get3A_57 : vector<256x128xf32> to vector<256x128xbf16>
    %dot_general3A_60 = arith.constant dense<0.000000e+00> : vector<1728x128xf32>
    %dot_general3A_61 = tpu.matmul %convert_element_type3A_58, %convert_element_type3A_59, %dot_general3A_60 {dimension_numbers = #tpu.dot_dimension_numbers<[1], [0], [0], [1], [0, 0, 1, 1], [], []>, transpose_lhs_hint = false} : vector<1728x256xbf16>, vector<256x128xbf16>, vector<1728x128xf32> -> vector<1728x128xf32>
    %exp3A_62 = math.exp %dot_general3A_61 : vector<1728x128xf32>
    %reshape3A_63 = vector.shape_cast %exp3A_62 : vector<1728x128xf32> to vector<54x32x128xf32>
    %slice3A_64 = vector.extract_strided_slice %dot_general3A_34 {offsets = [0, 0, 256], sizes = [54, 32, 128], strides = [1, 1, 1]} : vector<54x32x384xf32> to vector<54x32x128xf32>
    %mul3A_65 = arith.mulf %reshape3A_63, %slice3A_64 : vector<54x32x128xf32>
    %get3A_66 = arith.constant 0 : index
    %get3A_67 = arith.constant 0 : index
    %get3A_68 = vector.load %arg5[%get3A_66, %get3A_67] : memref<24x32xf32, #tpu.memory_space<vmem>>, vector<24x32xf32>
    %concatenate3A_69 = tpu.concatenate %reshape3A_63, %mul3A_65 in 2 : vector<54x32x128xf32>, vector<54x32x128xf32> -> vector<54x32x256xf32>
    %convert_element_type3A_70 = arith.truncf %get3A_68 : vector<24x32xf32> to vector<24x32xbf16>
    %convert_element_type3A_71 = arith.truncf %concatenate3A_69 : vector<54x32x256xf32> to vector<54x32x256xbf16>
    %broadcast_in_dim3A_72 = vector.shape_cast %convert_element_type3A_70 : vector<24x32xbf16> to vector<1x24x32xbf16>
    %broadcast_in_dim3A_73 = vector.shape_cast %broadcast_in_dim3A_72 : vector<1x24x32xbf16> to vector<1x24x32xbf16>
    %broadcast_in_dim3A_74 = vector.broadcast %broadcast_in_dim3A_73 : vector<1x24x32xbf16> to vector<54x24x32xbf16>
    %dot_general3A_75 = arith.constant dense<0.000000e+00> : vector<54x24x256xf32>
    %dot_general3A_76 = tpu.matmul %broadcast_in_dim3A_74, %convert_element_type3A_71, %dot_general3A_75 {dimension_numbers = #tpu.dot_dimension_numbers<[2], [1], [1], [2], [0, 0, 0, 1, 1, 2], [0], [0]>, transpose_lhs_hint = false} : vector<54x24x32xbf16>, vector<54x32x256xbf16>, vector<54x24x256xf32> -> vector<54x24x256xf32>
    %slice3A_77 = vector.extract_strided_slice %dot_general3A_76 {offsets = [0, 0, 0], sizes = [54, 24, 128], strides = [1, 1, 1]} : vector<54x24x256xf32> to vector<54x24x128xf32>
    %add3A_78 = arith.addf %slice3A_77, %reshape3A_23 : vector<54x24x128xf32>
    %slice3A_79 = vector.extract_strided_slice %dot_general3A_76 {offsets = [0, 0, 128], sizes = [54, 24, 128], strides = [1, 1, 1]} : vector<54x24x256xf32> to vector<54x24x128xf32>
    %mul3A_80 = arith.mulf %reshape3A_23, %concatenate3A : vector<54x24x128xf32>
    %add3A_81 = arith.addf %slice3A_79, %mul3A_80 : vector<54x24x128xf32>
    %add3A_82 = arith.constant 9.99999971E-10 : f32
    %add3A_83 = vector.broadcast %add3A_82 : f32 to vector<54x24x128xf32>
    %add3A_84 = arith.addf %add3A_78, %add3A_83 : vector<54x24x128xf32>
    %div3A = arith.constant 4.500000e-01 : f32
    %div3A_85 = vector.broadcast %div3A : f32 to vector<54x24x128xf32>
    %div3A_86 = arith.divf %div3A_85, %add3A_84 : vector<54x24x128xf32>
    %mul3A_87 = arith.mulf %div3A_86, %add3A_81 : vector<54x24x128xf32>
    %reshape3A_88 = vector.shape_cast %mul3A_87 : vector<54x24x128xf32> to vector<1296x128xf32>
    %get3A_89 = arith.constant 0 : index
    %get3A_90 = arith.constant 0 : index
    %get3A_91 = vector.load %arg7[%get3A_89, %get3A_90] : memref<128x128xf32, #tpu.memory_space<vmem>>, vector<128x128xf32>
    %convert_element_type3A_92 = arith.truncf %reshape3A_88 : vector<1296x128xf32> to vector<1296x128xbf16>
    %convert_element_type3A_93 = arith.truncf %get3A_91 : vector<128x128xf32> to vector<128x128xbf16>
    %dot_general3A_94 = arith.constant dense<0.000000e+00> : vector<1296x128xf32>
    %dot_general3A_95 = tpu.matmul %convert_element_type3A_92, %convert_element_type3A_93, %dot_general3A_94 {dimension_numbers = #tpu.dot_dimension_numbers<[1], [0], [0], [1], [0, 0, 1, 1], [], []>, transpose_lhs_hint = false} : vector<1296x128xbf16>, vector<128x128xbf16>, vector<1296x128xf32> -> vector<1296x128xf32>
    %add3A_96 = arith.addf %reshape3A_88, %dot_general3A_95 : vector<1296x128xf32>
    %mul3A_97 = arith.constant 5.000000e-02 : f32
    %mul3A_98 = vector.broadcast %mul3A_97 : f32 to vector<1296x128xf32>
    %mul3A_99 = arith.mulf %mul3A_98, %reshape3A : vector<1296x128xf32>
    %add3A_100 = arith.addf %add3A_96, %mul3A_99 : vector<1296x128xf32>
    %get3A_101 = arith.constant 0 : index
    %get3A_102 = arith.constant 0 : index
    %get3A_103 = vector.load %arg8[%get3A_101, %get3A_102] : memref<128x128xf32, #tpu.memory_space<vmem>>, vector<128x128xf32>
    %convert_element_type3A_104 = arith.truncf %reshape3A : vector<1296x128xf32> to vector<1296x128xbf16>
    %convert_element_type3A_105 = arith.truncf %get3A_103 : vector<128x128xf32> to vector<128x128xbf16>
    %dot_general3A_106 = arith.constant dense<0.000000e+00> : vector<1296x128xf32>
    %dot_general3A_107 = tpu.matmul %convert_element_type3A_104, %convert_element_type3A_105, %dot_general3A_106 {dimension_numbers = #tpu.dot_dimension_numbers<[1], [0], [0], [1], [0, 0, 1, 1], [], []>, transpose_lhs_hint = false} : vector<1296x128xbf16>, vector<128x128xbf16>, vector<1296x128xf32> -> vector<1296x128xf32>
    %add3A_108 = arith.addf %add3A_100, %dot_general3A_107 : vector<1296x128xf32>
    %get3A_109 = arith.constant 0 : index
    %get3A_110 = arith.constant 0 : index
    %get3A_111 = vector.load %arg9[%get3A_109, %get3A_110] : memref<1x128xf32, #tpu.memory_space<vmem>>, vector<1x128xf32>
    %add3A_112 = vector.broadcast %get3A_111 : vector<1x128xf32> to vector<1296x128xf32>
    %add3A_113 = arith.addf %add3A_108, %add3A_112 : vector<1296x128xf32>
    %mul3A_114 = arith.constant 5.000000e-01 : f32
    %mul3A_115 = vector.broadcast %mul3A_114 : f32 to vector<1296x128xf32>
    %mul3A_116 = arith.mulf %mul3A_115, %add3A_113 : vector<1296x128xf32>
    %mul3A_117 = arith.constant 0.707106769 : f32
    %mul3A_118 = vector.broadcast %mul3A_117 : f32 to vector<1296x128xf32>
    %mul3A_119 = arith.mulf %add3A_113, %mul3A_118 : vector<1296x128xf32>
    %erf3A = math.erf %mul3A_119 : vector<1296x128xf32>
    %add3A_120 = arith.constant 1.000000e+00 : f32
    %add3A_121 = vector.broadcast %add3A_120 : f32 to vector<1296x128xf32>
    %add3A_122 = arith.addf %add3A_121, %erf3A : vector<1296x128xf32>
    %mul3A_123 = arith.mulf %mul3A_116, %add3A_122 : vector<1296x128xf32>
    %reshape3A_124 = vector.shape_cast %mul3A_123 : vector<1296x128xf32> to vector<54x24x128xf32>
    %slice3A_125 = vector.extract_strided_slice %reshape3A_124 {offsets = [0, 0, 0], sizes = [54, 17, 128], strides = [1, 1, 1]} : vector<54x24x128xf32> to vector<54x17x128xf32>
    %swap3A = arith.constant 0 : index
    %swap3A_126 = arith.constant 0 : index
    %swap3A_127 = arith.constant 0 : index
    %swap3A_128 = vector.load %arg10[%swap3A, %swap3A_126, %swap3A_127] : memref<54x17x128xf32, #tpu.memory_space<vmem>>, vector<54x17x128xf32>
    tpu.vector_store %arg10[%swap3A, %swap3A_126, %swap3A_127], %slice3A_125 {strides = array<i32>} : memref<54x17x128xf32, #tpu.memory_space<vmem>>, vector<54x17x128xf32>,
    return
  }
  func.func @transform_0(%arg0: i32) -> (i32, i32, i32) {
    %c0_i32 = arith.constant 0 : i32
    %c0_i32_0 = arith.constant 0 : i32
    %c0_i32_1 = arith.constant 0 : i32
    return %arg0, %c0_i32, %c0_i32_0 : i32, i32, i32
  }
  func.func @transform_1(%arg0: i32) -> (i32, i32) {
    %c0_i32 = arith.constant 0 : i32
    %c0_i32_0 = arith.constant 0 : i32
    %c0_i32_1 = arith.constant 0 : i32
    return %c0_i32, %c0_i32_0 : i32, i32
  }
  func.func @transform_2(%arg0: i32) -> (i32, i32) {
    %c0_i32 = arith.constant 0 : i32
    %c0_i32_0 = arith.constant 0 : i32
    %c0_i32_1 = arith.constant 0 : i32
    return %c0_i32, %c0_i32_0 : i32, i32
  }
  func.func @transform_3(%arg0: i32) -> (i32, i32) {
    %c0_i32 = arith.constant 0 : i32
    %c0_i32_0 = arith.constant 0 : i32
    %c0_i32_1 = arith.constant 0 : i32
    return %c0_i32, %c0_i32_0 : i32, i32
  }
  func.func @transform_4(%arg0: i32) -> (i32, i32) {
    %c0_i32 = arith.constant 0 : i32
    %c0_i32_0 = arith.constant 0 : i32
    %c0_i32_1 = arith.constant 0 : i32
    return %c0_i32, %c0_i32_0 : i32, i32
  }
  func.func @transform_5(%arg0: i32) -> (i32, i32) {
    %c0_i32 = arith.constant 0 : i32
    %c0_i32_0 = arith.constant 0 : i32
    %c0_i32_1 = arith.constant 0 : i32
    return %c0_i32, %c0_i32_0 : i32, i32
  }
  func.func @transform_6(%arg0: i32) -> (i32, i32) {
    %c0_i32 = arith.constant 0 : i32
    %c0_i32_0 = arith.constant 0 : i32
    %c0_i32_1 = arith.constant 0 : i32
    return %c0_i32, %c0_i32_0 : i32, i32
  }
  func.func @transform_7(%arg0: i32) -> (i32, i32) {
    %c0_i32 = arith.constant 0 : i32
    %c0_i32_0 = arith.constant 0 : i32
    %c0_i32_1 = arith.constant 0 : i32
    return %c0_i32, %c0_i32_0 : i32, i32
  }
  func.func @transform_8(%arg0: i32) -> (i32, i32) {
    %c0_i32 = arith.constant 0 : i32
    %c0_i32_0 = arith.constant 0 : i32
    %c0_i32_1 = arith.constant 0 : i32
    return %c0_i32, %c0_i32_0 : i32, i32
  }
  func.func @transform_9(%arg0: i32) -> (i32, i32, i32) {
    %c0_i32 = arith.constant 0 : i32
    %c0_i32_0 = arith.constant 0 : i32
    %c0_i32_1 = arith.constant 0 : i32
    return %arg0, %c0_i32, %c0_i32_0 : i32, i32, i32
  }
}

</mosaic_0001>

<sc_bundles>
// kernel: sparse-core-data-format-call.cloned.1.call-start
scs
called_computation_lowered:
.L_overlay_start_0:
0x0: {  	s2 =	sld [smem:$0x3FD9]  }
0x1: {  	s3 =	sld [smem:$0x3FFE];
	_ =	sdelay $0x1  }
0x2: {  	s1 =	srdreg.scid  }
0x3: {  	s0 =	sand.u32 $0x1, s1  }
0x4: {  	s18 =	sshll.u32 s0, $0xA;
	s2 =	sadd.s32 s3, s2  }
0x5: {  	s2 =	sadd.s32 s2, s18  }
0x6: {  	[smem:$0x3FC0] =	sst s2  }
0x7: {  	_ = 	snop  }
0x8: {  	s2 =	sld [smem:$0x3FD0];
	(tm) =	ssettm $0x1  }
0x9: {  	s19 =	sld [smem:$0x3FFB];
	_ =	sdelay $0x3  }
0xa: {  	_ =	strace s19  }
0xb: {  	s3 =	sld [smem:$0x3FFC];
	_ =	sdelay $0x3  }
0xc: {  	_ =	strace s3  }
0xd: {  	s3 =	sld [smem:$0x3FFD];
	_ =	sdelay $0x3  }
0xe: {  	_ =	strace s3  }
0xf: {  	_ =	strace $0x8FFFFFFF  }
0x10: {  	s20 =	sld [smem:$0x3FDB];
	_ =	sdelay $0x1  }
0x11: {  	s4 =	simm.s32 $_scs_section_size  }
0x12: {  	s5 =	simm.s32 $_size__tile_overlayer_lowered;
	s6 =	simm.s32 $_tile_overlayer_lowered  }
0x13: {  	s23 =	simm.s32 $0x1BFF;
	s22 =	sshll.u32 s6, $0x1;
	s3 =	sadd.s32 s4, s20  }
0x14: {  	s7 =	simm.s32 $0x0;
	s21 =	sshll.u32 s5, $0x1;
	s5 =	sadd.s32 s22, s3  }
0x15: {  	[timem:s7], [sflag:s23] =	dma.local [hbm:s5], s21  }
0x16: {  	_ =	swait.ge [sflag:s23], s21  }
0x17: {  	s4 =	ssub.s32 $0x0, s21;
	[sflag:s23] =	ssyncset.done $0x0  }
0x18: {  	[sflag:s23] =	ssyncadd.s32 s4;
	_ =	sdelay $0x1  }
0x19: {  	s24 =	simm.s32 $0x1B8B  }
0x1a: {  	_ =	swait.ge [sflag:s24], $0x1  }
0x1b: {  	[sflag:s24] =	ssyncset.done $0x0  }
0x1c: {  	s26 =	simm.s32 $0x1B8E;
	s25 =	sld [smem:$0x3FFE];
	[sflag:s24] =	ssyncadd.s32 $0xFFFFFFFF  }
0x1d: {  	s27 =	simm.s32 $execute0_lowered;
	[smem:$0x3FD2] =	sst s26  }
0x1e: {  	s5 =	sshll.u32 s27, $0x1;
	_ =	strace $0x80000046;
	[dreg:$0x1] =	wrdreg $0xFFFFFFFF  }
0x1f: {  	s28 =	simm.s32 $_size_execute0_lowered;
	s3 =	sadd.s32 s3, s5;
	[dreg:$0x0] =	wrdreg $0x0  }
0x20: {  	s5 =	sshll.u32 s28, $0x1;
	[dreg:$0x2] =	wrdreg s3  }
0x21: {  	[dreg:$0x3] =	wrdreg s5  }
0x22: {  	[dreg:$0x4] =	wrdreg $0xC0  }
0x23: {  	_ =	task [dreg:s7], $0x5FFFF  }
0x24: {  	[dreg:$0x1] =	wrdreg $0xFFFFFFFF  }
0x25: {  	[dreg:$0x0] =	wrdreg $0x60  }
0x26: {  	[dreg:$0x2] =	wrdreg s25  }
0x27: {  	[dreg:$0x3] =	wrdreg s2  }
0x28: {  	[dreg:$0x4] =	wrdreg $0x9  }
0x29: {  	_ =	task.clear_ibuf [dreg:s7], $0x5FFFF;
	_ =	strace $0x90000046  }
0x2a: {  	s29 =	simm.s32 $0x9;
	_ =	strace $0x80000048  }
0x2b: {  	_ =	swait.ge [sflag:s29], $0x1  }
0x2c: {  	[sflag:s29] =	ssyncadd.s32 $0xFFFFFFFF  }
0x2d: {  	_ =	strace $0x90000048  }
0x2e: {  	_ =	sfence  }
0x2f: {  	s30 =	sld [smem:$0x0];
	_ =	sdelay $0x2  }
0x30: {  	s31 =	sshll.u32 s1, $0xD;
	s1 =	sshrl.u32 s1, $0x2  }
0x31: {  	s3 =	sand.u32 $0x4000, s31;
	s1 =	sadd.s32 s1, s30  }
0x32: {  	s0 =	sor.u32 s3, s0;
	s1 =	sshll.u32 s1, $0x11  }
0x33: {  	s0 =	sor.u32 s1, s0  }
0x34: {  	s0 =	sadd.s32 $0x8F2B, s0  }
0x35: {  	[sflag:s0] =	ssyncadd.remote.s32 $0x1  }
0x36: {  	_ =	sfence.sel $0xFFFF  }
0x37: {  	[dreg:$0x0] =	wrdreg $0xFFFFFFFF;
	(pc) =	sbr.abs _section_cstart, $3  }
0x38: {  	[dreg:$0x1] =	wrdreg $0xFFFFFFFF  }
0x39: {  	_ =	task.clear_ibuf [dreg:s7], $0x2FFFF;
	_ =	strace $0x9FFFFFFF  }
0x3a: {  	(tm) =	ssettm $0x7FFFFFFF  }
0x3b: {  	_ =	shalt  }
tec
execute0_lowered:
.L_overlay_start_1:
0x0: {  	(tag) =	ssettag $0x1  }
0x1: {  	s0 =	rddreg [dreg:$0x0];
	_ =	strace $0x80000047  }
0x2: {  	s1 =	srdreg.scid;
	s5 =	stileid.u32;
	s3 =	simm.s32 $0x1  }
0x3: {  	s2 =	simm.s32 $0x2;
	s15 =	simm.s32 $0x0;
	p0 =	por $0x0, $0x0  }
0x4: {  	s6 =	simm.s32 $0x80;
	s7 =	simm.s32 $0x11000;
	s17 =	simm.s32 $0x0  }
.Ltmp0:
0x5: {  	s16 =	simm.s32 $0x0;
	s8 =	simm.s32 $0x0;
	(pc) =	sbr.rel .LBB1_1-.Ltmp0, $4  }
0x6: {  	s10 =	simm.s32 $0x0;
	s11 =	simm.s32 $0x0;
	s1 =	sshll.u32 s1, $0x4  }
0x7: {  	s12 =	simm.s32 $0x0;
	s13 =	simm.s32 $0x0;
	s1 =	sand.u32 $0x10, s1  }
0x8: {  	s9 =	simm.s32 $0x0;
	[sflag:s3] =	ssyncpa.u1 $0x0;
	s5 =	sor.u32 s5, s1  }
0x9: {  	s4 =	sadd.s32 $0x2D9200, s0;
	[sflag:s2] =	ssyncpa.u1 $0x0;
	s14 =	smov.u32 s5  }
.LBB1_13:
0xa: {  	p1 =	sgt.s32 s8, $0x10;
	s0 =	smov.u32 s8  }
0xb: {  	s0 =	simm.s32 @!p1 $0x10  }
0xc: {  	s0 =	sadd.s32 s18, s0  }
0xd: {  	s1 =	sadd.s32 $0xFFFFFFF0, s0  }
0xe: {  	s28 =	smul.u32 $0x2200, s10;
	s0 =	ssub.s32 $0x11, s0;
	p1 =	sgt.s32 s1, $0x0  }
0xf: {  	s2 =	sshll.u32 s11, $0x4;
	s29 =	rddreg [dreg:$0x1];
	s0 =	simm.s32 @p1 $0x0  }
0x10: {  	s2 =	sand.u32 $0x1F0, s2;
	s1 =	sadd.s32 s29, s28;
	s0 =	smul.u32 s0, s19  }
0x11: {  	s30 =	sshll.u32 s8, $0x9;
	s1 =	sadd.s32 s2, s1  }
0x12: {  	s31 =	sor.u32 $0x8000, s21;
	s1 =	sadd.s32 s30, s1;
	s0 =	sand.u32 $0x3FFFFF80, s0  }
0x13: {  	[hbm4b:s1+s6] =	stream.strided.scatter [tilespmem:s31], [sflag:$0x2], s0, s7, s6, $0x38;
	[tilespmem:$0x10000] =	vst v63  }
.LBB1_14:
0x14: {  	p1 =	slt.u32 s9, $0x2  }
0x15: {  	p2 =	sgt.s32 @!p1 s17, $0x73  }
0x16: {  	s0 =	smov.u32 s17;
	s1 =	sshra.s32 @!p1 s17, $0x1F;
	p2 =	por !p2, p1  }
0x17: {  	s1 =	sand.u32 @!p1 s1, s17;
	s0 =	simm.s32 @p2 $0x73  }
0x18: {  	s0 =	ssub.s32 @!p1 s0, s1  }
0x19: {  	s18 =	smov.u32 s13;
	s1 =	sadd.s32 @!p1 $0xFFFFFF8D, s0  }
0x1a: {  	p3 =	sgt.s32 @!p1 s16, $0x1F;
	s2 =	sshra.s32 @!p1 s16, $0x1F;
	p2 =	sgt.s32 @!p1 s1, $0x7F  }
0x1b: {  	s2 =	sand.u32 @!p1 s2, s16;
	s0 =	ssub.s32 @!p1 $0xF3, s0;
	p2 =	por !p2, p1  }
0x1c: {  	s1 =	smov.u32 s16;
	s0 =	simm.s32 @!p2 $0x0;
	p2 =	por !p3, p1  }
0x1d: {  	s16 =	smov.u32 s15;
	p3 =	sgt.s32 @!p1 s15, $0x10;
	s1 =	simm.s32 @p2 $0x1F  }
0x1e: {  	p2 =	por !p3, p1;
	s1 =	ssub.s32 @!p1 s1, s2;
	s2 =	sshra.s32 @!p1 s15, $0x1F  }
0x1f: {  	s16 =	simm.s32 @p2 $0x10;
	s2 =	sand.u32 @!p1 s2, s15;
	s1 =	sadd.s32 @!p1 $0xFFFFFFE1, s1  }
0x20: {  	s2 =	ssub.s32 @!p1 s16, s2;
	p2 =	sgt.s32 @!p1 s1, $0x0;
	s1 =	sshll.u32 @!p1 s1, $0x7  }
0x21: {  	s15 =	sadd.s32 @!p1 $0xFFFFFFF0, s2;
	s1 =	ssub.s32 @!p1 $0x80, s1;
	p2 =	por !p2, p1  }
0x22: {  	s2 =	ssub.s32 @!p1 $0x11, s2;
	p3 =	sgt.s32 @!p1 s15, $0x0;
	s1 =	simm.s32 @!p2 $0x0  }
0x23: {  	p2 =	por !p3, p1;
	s0 =	smul.u32 @!p1 s0, s1;
	s1 =	sadd.s32 $0x1, s12  }
0x24: {  	s15 =	sadd.s32 $0x80, s13;
	s2 =	simm.s32 @!p2 $0x0;
	p2 =	sgt.s32 s1, $0x10  }
0x25: {  	s19 =	smov.u32 s14;
	s18 =	smov.u32 @p2 s15  }
0x26: {  	s0 =	smul.u32 @!p1 s2, s0;
	s2 =	sadd.s32 $0x20, s14;
	p3 =	sgt.s32 s18, $0xF2  }
0x27: {  	s9 =	sadd.s32 $0x1, s9;
	p0 =	por !p0, !p0;
	s19 =	smov.u32 @p3 s2  }
0x28: {  	s17 =	smov.u32 s10;
	s1 =	simm.s32 @p2 $0x0;
	p2 =	sgt.s32 s19, $0x1F  }
0x29: {  	s10 =	smov.u32 s13;
	s19 =	smov.u32 @p2 s5;
	p2 =	sne.s32 s9, $0x24  }
.Ltmp1:
0x2a: {  	s16 =	smov.u32 s11;
	s11 =	smov.u32 s14;
	(pc) =	sbr.rel @!p2 .LBB1_15-.Ltmp1, $4  }
0x2b: {  	s15 =	smov.u32 s8;
	s0 =	sand.u32 @!p1 $0x3FFFFF80, s0;
	s2 =	simm.s32 @!p1 $0x2  }
0x2c: {  	s8 =	smov.u32 s12;
	s12 =	smov.u32 s1;
	_ =	swait.ge @!p1 [sflag:s2], s0  }
0x2d: {  	s18 =	simm.s32 @p3 $0x0;
	s0 =	ssub.s32 @!p1 $0x0, s0;
	[sflag:s2] =	ssyncset.done @!p1 $0x0  }
0x2e: {  	s13 =	smov.u32 s18;
	[sflag:s2] =	ssyncadd.s32 @!p1 s0;
	s14 =	smov.u32 s19  }
.LBB1_1:
0x2f: {  	p1 =	sgt.u32 s9, $0x21  }
0x30: {  	s1 =	smov.u32 s14;
	s19 =	smov.u32 s13;
	p2 =	sgt.s32 @!p1 s14, $0x1F  }
0x31: {  	s0 =	sand.u32 @!p1 $0x1FFFFFF, s12;
	s18 =	sshra.s32 @!p1 s14, $0x1F;
	p2 =	por !p2, p1  }
0x32: {  	s20 =	sshra.s32 @!p1 s13, $0x1F;
	s1 =	simm.s32 @p2 $0x1F;
	p2 =	sgt.s32 @!p1 s13, $0x73  }
0x33: {  	s2 =	smulhi.u32 @!p1 $0xAAAAAAB, s0;
	s18 =	sand.u32 @!p1 s18, s14;
	p2 =	por !p2, p1  }
0x34: {  	s20 =	sand.u32 @!p1 s20, s13;
	s1 =	ssub.s32 @!p1 s1, s18;
	s19 =	simm.s32 @p2 $0x73  }
0x35: {  	p2 =	sgt.s32 @!p1 s12, $0x17;
	s1 =	sadd.s32 @!p1 $0xFFFFFFE1, s1;
	s18 =	ssub.s32 @!p1 s19, s20  }
0x36: {  	p2 =	por !p2, p1;
	s20 =	smov.u32 s12;
	s19 =	sadd.s32 @!p1 $0xFFFFFF8D, s18  }
0x37: {  	s20 =	simm.s32 @p2 $0x17;
	p3 =	sgt.s32 @!p1 s19, $0x7F;
	s19 =	sshra.s32 @!p1 s12, $0x1F  }
0x38: {  	p2 =	sgt.s32 @!p1 s1, $0x0;
	s1 =	sshll.u32 @!p1 s1, $0x7;
	s19 =	sand.u32 @!p1 s19, s12  }
0x39: {  	s18 =	ssub.s32 @!p1 $0xF3, s18;
	s1 =	ssub.s32 @!p1 $0x80, s1;
	s19 =	ssub.s32 @!p1 s20, s19  }
0x3a: {  	p2 =	por !p2, p1;
	p3 =	por !p3, p1;
	s20 =	sadd.s32 @!p1 $0xFFFFFFE9, s19  }
0x3b: {  	s1 =	simm.s32 @!p2 $0x0;
	s18 =	simm.s32 @!p3 $0x0;
	p3 =	sgt.s32 @!p1 s20, $0x0  }
0x3c: {  	s19 =	ssub.s32 @!p1 $0x18, s19;
	s1 =	smul.u32 @!p1 s18, s1;
	p2 =	por !p3, p1  }
0x3d: {  	s2 =	smul.u32 @!p1 $0x18, s2;
	s19 =	simm.s32 @!p2 $0x0  }
0x3e: {  	s1 =	smul.u32 @!p1 s19, s1  }
0x3f: {  	s19 =	smul.u32 @!p1 $0x16C80, s14  }
0x40: {  	s0 =	ssub.s32 @!p1 s0, s2;
	s18 =	sxor.u32 @!p1 $0xFFFFFFFF, s9;
	s20 =	smul.u32 @!p1 $0x180, s13  }
0x41: {  	s0 =	sshll.u32 @!p1 s0, $0x4;
	s18 =	sshll.u32 @!p1 s18, $0xE;
	s2 =	sadd.s32 @!p1 s4, s19  }
0x42: {  	s18 =	sand.u32 @!p1 $0x4000, s18;
	s1 =	sand.u32 @!p1 $0x3FFFFF80, s1;
	s2 =	sadd.s32 @!p1 s20, s2  }
0x43: {  	s19 =	simm.s32 @!p1 $0xC00;
	s0 =	sadd.s32 @!p1 s0, s2;
	s2 =	simm.s32 @!p1 $0x80  }
0x44: {  	[tilespmem:s18], [sflag:$0x1] =	stream.strided.gather @!p1 [hbm4b:s0+s2], s1, s19, s2, $0x38;
	[tilespmem:$0x10000] =	vst v63  }
0x45: {  	p1 =	seq.s32 s9, $0x0  }
0x46: {  	p2 =	seq.s32 @!p1 s9, $0x23  }
0x47: {  	p1 =	por p1, p2  }
.Ltmp2:
0x48: {  	_ = 	snop;
	(pc) =	sbr.rel @p1 .LBB1_14-.Ltmp2, $1  }
0x49: {  	_ =	sdelay $0x3  }
0x4a: {  	p1 =	sgt.s32 s11, $0x1F  }
0x4b: {  	s0 =	smov.u32 s11;
	s1 =	sshra.s32 s11, $0x1F;
	s2 =	sshra.s32 s10, $0x1F  }
0x4c: {  	s28 =	ssub.s32 $0x0, s8;
	s29 =	sshra.s32 s8, $0x1F;
	p2 =	sgt.s32 s8, $0x17  }
0x4d: {  	s19 =	smov.u32 s8;
	s0 =	simm.s32 @!p1 $0x1F;
	s1 =	sand.u32 s1, s11  }
0x4e: {  	p1 =	sgt.s32 s10, $0x73;
	s0 =	ssub.s32 s0, s1;
	s1 =	smov.u32 s10  }
0x4f: {  	s2 =	sand.u32 s2, s10;
	s19 =	simm.s32 @!p2 $0x17;
	s1 =	simm.s32 @!p1 $0x73  }
0x50: {  	s18 =	sadd.s32 $0xFFFFFFE1, s0;
	s0 =	ssub.s32 $0x20, s0;
	s1 =	ssub.s32 s1, s2  }
0x51: {  	p1 =	sgt.s32 s18, $0x0;
	s18 =	sand.u32 s28, s29;
	s20 =	sadd.s32 $0xFFFFFF8D, s1  }
0x52: {  	s1 =	ssub.s32 $0xF3, s1;
	s2 =	sadd.s32 s18, s19;
	p2 =	sgt.s32 s20, $0x7F  }
0x53: {  	s0 =	simm.s32 @p1 $0x0;
	s19 =	sadd.s32 $0xFFFFFFE9, s2;
	s1 =	simm.s32 @p2 $0x0  }
0x54: {  	p1 =	sgt.s32 s19, $0x0;
	s0 =	smul.u32 s0, s1;
	s1 =	ssub.s32 $0x18, s2  }
0x55: {  	s2 =	sadd.s32 $0x1, s11;
	s1 =	simm.s32 @p1 $0x0  }
0x56: {  	p1 =	slt.s32 s2, $0x20;
	s19 =	sshll.u32 s0, $0x7;
	s0 =	sadd.s32 $0x80, s10  }
0x57: {  	s2 =	simm.s32 @!p1 $0x20;
	p1 =	slt.s32 s0, $0xF3  }
0x58: {  	s20 =	ssub.s32 s2, s11;
	s2 =	sadd.s32 $0x1, s8;
	s0 =	simm.s32 @!p1 $0xF3  }
0x59: {  	p1 =	slt.s32 s2, $0x11;
	p2 =	slt.s32 s20, $0x1;
	s22 =	ssub.s32 s0, s10  }
0x5a: {  	s2 =	simm.s32 @!p1 $0x11;
	p1 =	slt.s32 @!p2 s22, $0x1  }
0x5b: {  	s23 =	ssub.s32 s2, s8;
	p1 =	por p2, p1  }
0x5c: {  	p2 =	slt.s32 @!p1 s23, $0x1  }
0x5d: {  	s1 =	smul.u32 s1, s19;
	p1 =	por p1, p2  }
.Ltmp3:
0x5e: {  	_ = 	snop;
	(pc) =	sbr.rel @p1 .LBB1_13-.Ltmp3, $4  }
0x5f: {  	s30 =	sand.u32 $0x3FFFFF80, s1  }
0x60: {  	_ =	swait.ge [sflag:s3], s30  }
0x61: {  	s31 =	sshll.u32 s9, $0xE;
	s1 =	ssub.s32 $0x0, s30;
	[sflag:s3] =	ssyncset.done $0x0  }
0x62: {  	s21 =	sand.u32 $0x4000, s31;
	[sflag:s3] =	ssyncadd.s32 s1  }
.Ltmp4:
0x63: {  	s0 =	simm.s32 $0x1;
	(pc) =	sbr.rel .LBB1_4-.Ltmp4, $4  }
0x64: {  	s0 =	simm.s32 @!p0 $0x0  }
0x65: {  	s0 =	sshll.u32 s0, $0x10  }
0x66: {  	s0 =	sshrl.u32 s0, $0x2  }
0x67: {  	s25 =	simm.s32 $0x0;
	s26 =	simm.s32 $0x0;
	s24 =	sadd.s32 $0x8040, s0  }
.LBB1_12:
0x68: {  	s26 =	sadd.s32 $0x1, s26  }
0x69: {  	p1 =	sne.s32 s26, s20  }
.Ltmp5:
0x6a: {  	_ = 	snop;
	(pc) =	sbr.rel @!p1 .LBB1_13-.Ltmp5, $2  }
0x6b: {  	_ =	sdelay $0x2  }
0x6c: {  	s25 =	sadd.s32 $0x80, s25  }
.LBB1_4:
0x6d: {  	s0 =	sshll.u32 s26, $0x10  }
0x6e: {  	s1 =	sand.u32 $0x380, s25;
	s0 =	sshra.s32 s0, $0x2  }
0x6f: {  	s28 =	simm.s32 $0x0;
	s29 =	sadd.s32 s1, s24;
	s27 =	sadd.s32 s0, s21  }
.LBB1_5:
0x70: {  	s0 =	sshll.u32 s28, $0x9  }
0x71: {  	s0 =	sshra.s32 s0, $0x2  }
0x72: {  	p2 =	sne.s32 s23, $0x1;
	s0 =	sadd.s32 s0, s27  }
.Ltmp6:
0x73: {  	v0 =	vmov s0;
	(pc) =	sbr.rel @!p2 .LBB1_6-.Ltmp6, $3  }
0x74: {  	_ =	sdelay $0x1  }
0x75: {  	s1 =	simm.s32 $0x0  }
0x76: {  	s2 =	sadd.s32 $0xFFFFFFFF, s23;
	p1 =	por $0x0, $0x0;
	s0 =	sand.u32 $0x380, s1  }
0x77: {  	_ =	sdelay $0x3  }
0x78: {  	v1 =	vld.idx.msk [tilespmem:v0+s0+$0x70 ss:$0x1], $0xffff  }
0x79: {  	v7 =	vld.idx.msk [tilespmem:v0+s0+$0x0 ss:$0x1], $0xffff  }
0x7a: {  	v2 =	vld.idx.msk [tilespmem:v0+s0+$0x10 ss:$0x1], $0xffff;
	p2 =	sne.s32 s2, $0x1  }
.Ltmp7:
0x7b: {  	v4 =	vld.idx.msk [tilespmem:v0+s0+$0x20 ss:$0x1], $0xffff;
	(pc) =	sbr.rel @!p2 .LBB1_8-.Ltmp7, $4  }
0x7c: {  	v5 =	vld.idx.msk [tilespmem:v0+s0+$0x30 ss:$0x1], $0xffff  }
0x7d: {  	v6 =	vld.idx.msk [tilespmem:v0+s0+$0x40 ss:$0x1], $0xffff  }
0x7e: {  	v3 =	vld.idx.msk [tilespmem:v0+s0+$0x50 ss:$0x1], $0xffff;
	s1 =	simm.s32 $0x80;
	s2 =	sadd.s32 $0xFFFFFFFF, s2;
	[tilespmem:s29+$0x30] =	vst v1  }
0x7f: {  	p1 =	por $0x1, $0x1;
	s30 =	smov.u32 s29;
	s31 =	sand.u32 $0x380, s1;
	[tilespmem:s29+$0xFFFFFFC0] =	vst v7;
	v1 =	vld.idx.msk [tilespmem:v0+s0+$0x60 ss:$0x1], $0xffff  }
.LBB1_9:
0x80: {  	p2 =	sne.s32 s2, $0x1;
	v7 =	vld.idx.msk [tilespmem:v0+s31+$0x70 ss:$0x1], $0xffff;
	[tilespmem:s30+$0xFFFFFFD0] =	vst v2  }
0x81: {  	v8 =	vld.idx.msk [tilespmem:v0+s31+$0x0 ss:$0x1], $0xffff;
	[tilespmem:s30+$0xFFFFFFE0] =	vst v4  }
0x82: {  	v2 =	vld.idx.msk [tilespmem:v0+s31+$0x10 ss:$0x1], $0xffff;
	[tilespmem:s30+$0xFFFFFFF0] =	vst v5  }
.Ltmp8:
0x83: {  	v4 =	vld.idx.msk [tilespmem:v0+s31+$0x20 ss:$0x1], $0xffff;
	[tilespmem:s30+$0x0] =	vst v6;
	(pc) =	sbr.rel @p2 .LBB1_9-.Ltmp8, $4  }
0x84: {  	v5 =	vld.idx.msk [tilespmem:v0+s31+$0x30 ss:$0x1], $0xffff;
	[tilespmem:s30+$0x10] =	vst v3  }
0x85: {  	v6 =	vld.idx.msk [tilespmem:v0+s31+$0x40 ss:$0x1], $0xffff;
	[tilespmem:s30+$0x20] =	vst v1;
	s30 =	sadd.s32 $0x80, s30  }
0x86: {  	s1 =	sadd.s32 $0x80, s1;
	v3 =	vld.idx.msk [tilespmem:v0+s31+$0x50 ss:$0x1], $0xffff;
	[tilespmem:s30+$0x30] =	vst v7  }
0x87: {  	s2 =	sadd.s32 $0xFFFFFFFF, s2;
	[tilespmem:s30+$0xFFFFFFC0] =	vst v8;
	v1 =	vld.idx.msk [tilespmem:v0+s31+$0x60 ss:$0x1], $0xffff;
	s31 =	sand.u32 $0x380, s1  }
0x88: {  	s0 =	smov.u32 s31  }
.LBB1_11:
0x89: {  	_ =	sdelay $0x2  }
0x8a: {  	[tilespmem:s30+$0xFFFFFFD0] =	vst @p1 v2  }
0x8b: {  	v7 =	vld.idx.msk [tilespmem:v0+s0+$0x70 ss:$0x1], $0xffff;
	[tilespmem:s30+$0xFFFFFFE0] =	vst @p1 v4  }
0x8c: {  	v57 =	vld.idx.msk [tilespmem:v0+s0+$0x0 ss:$0x1], $0xffff;
	[tilespmem:s30+$0xFFFFFFF0] =	vst @p1 v5  }
0x8d: {  	v58 =	vld.idx.msk [tilespmem:v0+s0+$0x10 ss:$0x1], $0xffff;
	[tilespmem:s30+$0x0] =	vst @p1 v6  }
0x8e: {  	v59 =	vld.idx.msk [tilespmem:v0+s0+$0x20 ss:$0x1], $0xffff;
	s1 =	sadd.s32 @p1 $0x80, s30;
	[tilespmem:s30+$0x10] =	vst @p1 v3  }
0x8f: {  	s2 =	sadd.s32 $0x80, s29;
	v60 =	vld.idx.msk [tilespmem:v0+s0+$0x30 ss:$0x1], $0xffff;
	s29 =	smov.u32 @p1 s1;
	[tilespmem:s30+$0x20] =	vst @p1 v1  }
0x90: {  	v61 =	vld.idx.msk [tilespmem:v0+s0+$0x40 ss:$0x1], $0xffff;
	[tilespmem:s29+$0x30] =	vst v7  }
0x91: {  	v62 =	vld.idx.msk [tilespmem:v0+s0+$0x50 ss:$0x1], $0xffff;
	s28 =	sadd.s32 $0x1, s28;
	[tilespmem:s29+$0xFFFFFFC0] =	vst v57  }
0x92: {  	v63 =	vld.idx.msk [tilespmem:v0+s0+$0x60 ss:$0x1], $0xffff;
	p2 =	sne.s32 s28, s22;
	[tilespmem:s29+$0xFFFFFFD0] =	vst v58  }
.Ltmp9:
0x93: {  	[tilespmem:s29+$0xFFFFFFE0] =	vst v59;
	(pc) =	sbr.rel @p2 .LBB1_5-.Ltmp9, $4  }
.Ltmp10:
0x94: {  	[tilespmem:s29+$0xFFFFFFF0] =	vst v60;
	(pc) =	sbr.rel @!p2 .LBB1_12-.Ltmp10, $4  }
0x95: {  	[tilespmem:s29+$0x0] =	vst v61  }
0x96: {  	[tilespmem:s29+$0x10] =	vst v62  }
0x97: {  	[tilespmem:s29+$0x20] =	vst v63;
	s29 =	smov.u32 s2  }
0x98: {  	_ = 	snop  }
.LBB1_6:
.Ltmp11:
0x99: {  	(pc) =	sbr.rel .LBB1_11-.Ltmp11, $2  }
0x9a: {  	_ =	sdelay $0x2  }
0x9b: {  	s30 =	smov.u32 s29  }
.LBB1_8:
.Ltmp12:
0x9c: {  	(pc) =	sbr.rel .LBB1_11-.Ltmp12, $2  }
0x9d: {  	_ =	sdelay $0x2  }
0x9e: {  	s0 =	smov.u32 s31;
	s30 =	smov.u32 s29  }
.LBB1_15:
0x9f: {  	_ =	sfence.sel $0x180000  }
0xa0: {  	s0 =	simm.s32 $0x1;
	[bflag:$0x0] =	sbarrier.arrive $0xFFFF  }
0xa1: {  	s30 =	simm.s32 $0x2;
	[sflag:s0] =	ssyncpa.u1 $0x1  }
0xa2: {  	[sflag:s30] =	ssyncpa.u1 $0x1  }
0xa3: {  	_ =	strace $0x90000047  }
0xa4: {  	s31 =	stileid.u32;
	[bflag:$0x2] =	sbarrier.arrive $0xFFFF  }
0xa5: {  	p0 =	sne.s32 s31, $0x0;
	s0 =	rddreg [dreg:$0x2]  }
0xa6: {  	s0 =	sadd.s32 @!p0 $0x100000, s0  }
0xa7: {  	[sflag:s0] =	ssyncadd.tile.s32 @!p0 $0x1;
	_ =	shalt  }
.Lfunc_end1:
_tile_overlayer_lowered:
.L_overlay_start_2:
0xa8: {  	(tag) =	ssettag $0x2  }
0xa9: {  	s0 =	rddreg [dreg:$0x0];
	s2 =	stileid.u32  }
0xaa: {  	s1 =	rddreg [dreg:$0x1];
	p0 =	sne.s32 s2, $0x0  }
0xab: {  	s3 =	rddreg [dreg:$0x2];
	[bflag:$0x3] =	sbarrier.arrive $0xFFFF;
	s2 =	simm.s32 @!p0 $0x1C01  }
0xac: {  	[timem:s3], [sflag:s2] =	dma.local @!p0 [hbm:s0], s1  }
0xad: {  	s0 =	simm.s32 @!p0 $0x1  }
0xae: {  	_ =	swait.ge @!p0 [sflag:s0], s1  }
0xaf: {  	s1 =	ssub.s32 @!p0 $0x0, s1;
	[sflag:s0] =	ssyncset.done @!p0 $0x0  }
0xb0: {  	[sflag:s0] =	ssyncadd.s32 @!p0 s1  }
0xb1: {  	[bflag:$0x3] =	sbarrier.arrive $0xFFFF  }
0xb2: {  	_ =	shalt  }

</sc_bundles>
